<compile_context>
chip_gen: v7x
topology: tpu7x:2x2x1
jax: 0.10.2.dev20260603
libtpu: 0.0.44.dev20260713+nightly
codegen_flags: <defaults>
</compile_context>

<pallas_src>
import functools

import jax
import jax.numpy as jnp
from jax import lax
from jax.experimental import pallas as pl
from jax.experimental.pallas import tpu as pltpu
from jax.experimental.pallas import tpu_sc as plsc

_N_E = 1024
_D = 256
_ROWS = 4608
_BLK = 512
_GRID = _ROWS // _BLK

_NW = 32
_BPW = _ROWS // _NW
_GCHUNK = 72


def _vq_tc_body(z_ref, w_ref, a_ref, b_ref, idx_ref, sse_ref):
    i = pl.program_id(0)
    zb = z_ref[...]
    w = w_ref[...]

    a = a_ref[...]
    b = b_ref[0, :]
    c = jnp.dot(zb, w.T, preferred_element_type=jnp.float32)
    sq = a + b[None, :] - 2.0 * c
    dist = jnp.sqrt(jnp.maximum(sq, 0.0))

    m = jnp.min(dist, axis=1, keepdims=True)
    lane = jax.lax.broadcasted_iota(jnp.int32, dist.shape, 1)
    idx = jnp.min(jnp.where(dist == m, lane, _N_E), axis=1)
    idx_ref[...] = idx.reshape(1, 1, _BLK)

    @pl.when(i == 0)
    def _init():
        sse_ref[0, 0] = 0.0

    sse_ref[0, 0] += jnp.sum(m * m)


_vq_tc = pl.pallas_call(
    _vq_tc_body,
    grid=(_GRID,),
    in_specs=[
        pl.BlockSpec((_BLK, _D), lambda i: (i, 0)),
        pl.BlockSpec((_N_E, _D), lambda i: (0, 0)),
        pl.BlockSpec((_BLK, 1), lambda i: (i, 0)),
        pl.BlockSpec((1, _N_E), lambda i: (0, 0)),
    ],
    out_specs=[
        pl.BlockSpec((1, 1, _BLK), lambda i: (i, 0, 0)),
        pl.BlockSpec((1, 1), lambda i: (0, 0), memory_space=pltpu.SMEM),
    ],
    out_shape=[
        jax.ShapeDtypeStruct((_GRID, 1, _BLK), jnp.int32),
        jax.ShapeDtypeStruct((1, 1), jnp.float32),
    ],
    compiler_params=pltpu.CompilerParams(
        dimension_semantics=("arbitrary",),
    ),
)


@functools.partial(
    pl.kernel,
    out_type=jax.ShapeDtypeStruct((_ROWS, _D), jnp.float32),
    mesh=plsc.VectorSubcoreMesh(core_axis_name="c", subcore_axis_name="s"),
    scratch_types=[
        pltpu.VMEM((_BPW,), jnp.int32),
        pltpu.VMEM((_BPW, _D), jnp.float32),
        pltpu.SemaphoreType.DMA,
    ],
)
def _codebook_gather(w_hbm, idx_hbm, out_hbm, idx_v, rows_v, sem):
    wid = lax.axis_index("s") * 2 + lax.axis_index("c")
    base = wid * _BPW
    pltpu.sync_copy(idx_hbm.at[pl.ds(base, _BPW)], idx_v)
    cps = [
        pltpu.async_copy(
            w_hbm.at[idx_v.at[pl.ds(j * _GCHUNK, _GCHUNK)]],
            rows_v.at[pl.ds(j * _GCHUNK, _GCHUNK)],
            sem,
        )
        for j in range(_BPW // _GCHUNK)
    ]
    for cp in cps:
        cp.wait()
    pltpu.sync_copy(rows_v, out_hbm.at[pl.ds(base, _BPW)])


def kernel(z, W):
    input_shape = z.shape
    flat = z.reshape(_ROWS, _D)
    a = jnp.sum(flat ** 2, axis=1, keepdims=True)
    b = jnp.sum(W ** 2, axis=1).reshape(1, _N_E)

    idx3, sse = _vq_tc(flat, W, a, b)
    idx_flat = idx3.reshape(_ROWS)
    z_q = _codebook_gather(W, idx_flat)

    idx_out = idx_flat.reshape(input_shape[:-1])
    loss = sse[0, 0] * ((1.0 + 0.25) / (_ROWS * _D))
    return (z_q.reshape(input_shape), loss, idx_out)

# --- scband reference (transcript-rebuilt; emitter-appended) ---
"""Pipeline reference for scband-di-ve-q-78426102825288 (READ-ONLY COPY).

The authoritative reference and input builder live on the scoring server;
editing this copy changes nothing except your own understanding.
"""

import jax, jax.numpy as jnp
import numpy as np

NUM_EMBEDDINGS = 1024
EMBEDDING_DIM = 256
COMMITMENT_COST = 0.25


def setup_inputs(seed: int = 0) -> dict:
    key = jax.random.key(seed)
    k1, k2 = jax.random.split(key)
    z = jax.random.normal(k1, (8, 576, 256), dtype=jnp.float32)
    W = jax.random.uniform(k2, (NUM_EMBEDDINGS, EMBEDDING_DIM), dtype=jnp.float32,
                           minval=-1.0 / NUM_EMBEDDINGS, maxval=1.0 / NUM_EMBEDDINGS)
    return {"z": z, "W": W}


def reference(z, W):
    input_shape = z.shape
    flat_input = z.reshape(-1, EMBEDDING_DIM)
    # torch.cdist equivalent: pairwise euclidean distances
    sq = (jnp.sum(flat_input ** 2, axis=1, keepdims=True)
          + jnp.sum(W ** 2, axis=1)[None, :]
          - 2.0 * flat_input @ W.T)
    distances = jnp.sqrt(jnp.maximum(sq, 0.0))
    indices = jnp.argmin(distances, axis=1)
    c_i_star = W[indices]
    d_vec = c_i_star - flat_input
    # eval mode: v_d = d_vec (no directional noise)
    v_d = d_vec
    magnitude = jnp.linalg.norm(d_vec, ord=2, axis=1, keepdims=True)
    direction = v_d / (jnp.linalg.norm(v_d, ord=2, axis=1, keepdims=True) + 1e-08)
    direction = jax.lax.stop_gradient(direction)
    z_q = flat_input + magnitude * direction
    z_q = z_q.reshape(input_shape)
    idx_out = indices.reshape(input_shape[:-1])
    codebook_loss = jnp.mean((c_i_star - jax.lax.stop_gradient(flat_input)) ** 2)
    commitment_loss = jnp.mean((flat_input - jax.lax.stop_gradient(c_i_star)) ** 2)
    loss = codebook_loss + COMMITMENT_COST * commitment_loss
    return (z_q, loss, idx_out)

if __name__ == "__main__":
    import jax
    _d = setup_inputs()
    print(jax.jit(kernel)(*tuple(_d.values())))

</pallas_src>

<mosaic_0001>
#map = affine_map<(d0, d1) -> (0, 0)>
#map1 = affine_map<(d0, d1) -> (0)>
module attributes {stable_mosaic.version = 14 : i64} {
  func.func @_codebook_gather(%arg0: i32, %arg1: i32, %arg2: memref<1024x256xf32, #tpu.memory_space<hbm>>, %arg3: memref<4608xi32, #tpu.memory_space<hbm>>, %arg4: memref<4608x256xf32, #tpu.memory_space<hbm>>, %arg5: memref<144xi32, #tpu.memory_space<vmem>>, %arg6: memref<144x256xf32, #tpu.memory_space<vmem>>, %arg7: memref<!tpu.dma_semaphore, #tpu.memory_space<semaphore_mem>>) attributes {dimension_semantics = [#tpu.dimension_semantics<core_parallel>, #tpu.dimension_semantics<subcore_parallel>], iteration_bounds = array<i64: 2, 16>, scalar_prefetch = 0 : i64, scratch_operands = 3 : i64, tpu.core_type = #tpu.core_type<sc_vector_subcore>, window_params = [{transform_indices = #map}, {transform_indices = #map1}, {transform_indices = #map}]} {
    %mul3A = arith.constant 2 : i32
    %mul3A_0 = arith.muli %arg1, %mul3A : i32
    %add3A = arith.addi %mul3A_0, %arg0 : i32
    %mul3A_1 = arith.constant 144 : i32
    %mul3A_2 = arith.muli %add3A, %mul3A_1 : i32
    "tpu.region"() ({
      %run_scoped3A = tpu.sem_alloc : memref<!tpu.dma_semaphore, #tpu.memory_space<semaphore_mem>>
      %dma_start3A_33 = tpu.memref_slice %arg3[%mul3A_2] : memref<4608xi32, #tpu.memory_space<hbm>> -> memref<144xi32, #tpu.memory_space<hbm>>
      %dma_start3A_34 = tpu.memref_slice %arg3[%mul3A_2] : memref<4608xi32, #tpu.memory_space<hbm>> -> memref<144xi32, #tpu.memory_space<hbm>>
      tpu.enqueue_dma source(%dma_start3A_34 : memref<144xi32, #tpu.memory_space<hbm>>) target(%arg5 : memref<144xi32, #tpu.memory_space<vmem>>) target_semaphore(%run_scoped3A : memref<!tpu.dma_semaphore, #tpu.memory_space<semaphore_mem>>)
      %dma_wait3A_35 = tpu.memref_slice %arg3[%mul3A_2] : memref<4608xi32, #tpu.memory_space<hbm>> -> memref<144xi32, #tpu.memory_space<hbm>>
      %dma_wait3A_36 = tpu.memref_slice %arg3[%mul3A_2] : memref<4608xi32, #tpu.memory_space<hbm>> -> memref<144xi32, #tpu.memory_space<hbm>>
      tpu.wait_dma2 semaphore(%run_scoped3A : memref<!tpu.dma_semaphore, #tpu.memory_space<semaphore_mem>>) src(%dma_wait3A_36 : memref<144xi32, #tpu.memory_space<hbm>>) dst(%arg5 : memref<144xi32, #tpu.memory_space<vmem>>)
      tpu.yield
    }) : () -> ()
    %dma_start3A = arith.constant 0 : i32
    %dma_start3A_3 = arith.constant 0 : i32
    %dma_start3A_4 = tpu.memref_slice %arg6[%dma_start3A, %dma_start3A_3] : memref<144x256xf32, #tpu.memory_space<vmem>> -> memref<72x256xf32, #tpu.memory_space<vmem>>
    %dma_start3A_5 = arith.constant 0 : i32
    %dma_start3A_6 = tpu.memref_slice %arg5[%dma_start3A_5] : memref<144xi32, #tpu.memory_space<vmem>> -> memref<72xi32, #tpu.memory_space<vmem>>
    %dma_start3A_7 = arith.constant 0 : i32
    %dma_start3A_8 = arith.constant 0 : i32
    %dma_start3A_9 = tpu.memref_slice %arg2[%dma_start3A_7, %dma_start3A_8] : memref<1024x256xf32, #tpu.memory_space<hbm>> -> memref<1024x256xf32, #tpu.memory_space<hbm>>
    tpu.enqueue_indirect_dma source(%dma_start3A_9 : memref<1024x256xf32, #tpu.memory_space<hbm>>) target(%dma_start3A_4 : memref<72x256xf32, #tpu.memory_space<vmem>>) offsets(%dma_start3A_6 : memref<72xi32, #tpu.memory_space<vmem>>) semaphore(%arg7 : memref<!tpu.dma_semaphore, #tpu.memory_space<semaphore_mem>>)
    %dma_start3A_10 = arith.constant 72 : i32
    %dma_start3A_11 = arith.constant 0 : i32
    %dma_start3A_12 = tpu.memref_slice %arg6[%dma_start3A_10, %dma_start3A_11] : memref<144x256xf32, #tpu.memory_space<vmem>> -> memref<72x256xf32, #tpu.memory_space<vmem>>
    %dma_start3A_13 = arith.constant 72 : i32
    %dma_start3A_14 = tpu.memref_slice %arg5[%dma_start3A_13] : memref<144xi32, #tpu.memory_space<vmem>> -> memref<72xi32, #tpu.memory_space<vmem>>
    %dma_start3A_15 = arith.constant 0 : i32
    %dma_start3A_16 = arith.constant 0 : i32
    %dma_start3A_17 = tpu.memref_slice %arg2[%dma_start3A_15, %dma_start3A_16] : memref<1024x256xf32, #tpu.memory_space<hbm>> -> memref<1024x256xf32, #tpu.memory_space<hbm>>
    tpu.enqueue_indirect_dma source(%dma_start3A_17 : memref<1024x256xf32, #tpu.memory_space<hbm>>) target(%dma_start3A_12 : memref<72x256xf32, #tpu.memory_space<vmem>>) offsets(%dma_start3A_14 : memref<72xi32, #tpu.memory_space<vmem>>) semaphore(%arg7 : memref<!tpu.dma_semaphore, #tpu.memory_space<semaphore_mem>>)
    %dma_wait3A = arith.constant 0 : i32
    %dma_wait3A_18 = arith.constant 0 : i32
    %dma_wait3A_19 = tpu.memref_slice %arg6[%dma_wait3A, %dma_wait3A_18] : memref<144x256xf32, #tpu.memory_space<vmem>> -> memref<72x256xf32, #tpu.memory_space<vmem>>
    %dma_wait3A_20 = arith.constant 0 : i32
    %dma_wait3A_21 = tpu.memref_slice %arg5[%dma_wait3A_20] : memref<144xi32, #tpu.memory_space<vmem>> -> memref<72xi32, #tpu.memory_space<vmem>>
    %dma_wait3A_22 = arith.constant 0 : i32
    %dma_wait3A_23 = arith.constant 0 : i32
    %dma_wait3A_24 = tpu.memref_slice %arg2[%dma_wait3A_22, %dma_wait3A_23] : memref<1024x256xf32, #tpu.memory_space<hbm>> -> memref<1024x256xf32, #tpu.memory_space<hbm>>
    tpu.wait_indirect_dma semaphore(%arg7 : memref<!tpu.dma_semaphore, #tpu.memory_space<semaphore_mem>>) src(%dma_wait3A_24 : memref<1024x256xf32, #tpu.memory_space<hbm>>) dst(%dma_wait3A_19 : memref<72x256xf32, #tpu.memory_space<vmem>>)
    %dma_wait3A_25 = arith.constant 72 : i32
    %dma_wait3A_26 = arith.constant 0 : i32
    %dma_wait3A_27 = tpu.memref_slice %arg6[%dma_wait3A_25, %dma_wait3A_26] : memref<144x256xf32, #tpu.memory_space<vmem>> -> memref<72x256xf32, #tpu.memory_space<vmem>>
    %dma_wait3A_28 = arith.constant 72 : i32
    %dma_wait3A_29 = tpu.memref_slice %arg5[%dma_wait3A_28] : memref<144xi32, #tpu.memory_space<vmem>> -> memref<72xi32, #tpu.memory_space<vmem>>
    %dma_wait3A_30 = arith.constant 0 : i32
    %dma_wait3A_31 = arith.constant 0 : i32
    %dma_wait3A_32 = tpu.memref_slice %arg2[%dma_wait3A_30, %dma_wait3A_31] : memref<1024x256xf32, #tpu.memory_space<hbm>> -> memref<1024x256xf32, #tpu.memory_space<hbm>>
    tpu.wait_indirect_dma semaphore(%arg7 : memref<!tpu.dma_semaphore, #tpu.memory_space<semaphore_mem>>) src(%dma_wait3A_32 : memref<1024x256xf32, #tpu.memory_space<hbm>>) dst(%dma_wait3A_27 : memref<72x256xf32, #tpu.memory_space<vmem>>)
    "tpu.region"() ({
      %run_scoped3A = tpu.sem_alloc : memref<!tpu.dma_semaphore, #tpu.memory_space<semaphore_mem>>
      %dma_start3A_33 = arith.constant 0 : i32
      %dma_start3A_34 = tpu.memref_slice %arg4[%mul3A_2, %dma_start3A_33] : memref<4608x256xf32, #tpu.memory_space<hbm>> -> memref<144x256xf32, #tpu.memory_space<hbm>>
      %dma_start3A_35 = arith.constant 0 : i32
      %dma_start3A_36 = tpu.memref_slice %arg4[%mul3A_2, %dma_start3A_35] : memref<4608x256xf32, #tpu.memory_space<hbm>> -> memref<144x256xf32, #tpu.memory_space<hbm>>
      tpu.enqueue_dma source(%arg6 : memref<144x256xf32, #tpu.memory_space<vmem>>) target(%dma_start3A_36 : memref<144x256xf32, #tpu.memory_space<hbm>>) target_semaphore(%run_scoped3A : memref<!tpu.dma_semaphore, #tpu.memory_space<semaphore_mem>>)
      %dma_wait3A_37 = arith.constant 0 : i32
      %dma_wait3A_38 = tpu.memref_slice %arg4[%mul3A_2, %dma_wait3A_37] : memref<4608x256xf32, #tpu.memory_space<hbm>> -> memref<144x256xf32, #tpu.memory_space<hbm>>
      %dma_wait3A_39 = arith.constant 0 : i32
      %dma_wait3A_40 = tpu.memref_slice %arg4[%mul3A_2, %dma_wait3A_39] : memref<4608x256xf32, #tpu.memory_space<hbm>> -> memref<144x256xf32, #tpu.memory_space<hbm>>
      tpu.wait_dma2 semaphore(%run_scoped3A : memref<!tpu.dma_semaphore, #tpu.memory_space<semaphore_mem>>) src(%arg6 : memref<144x256xf32, #tpu.memory_space<vmem>>) dst(%dma_wait3A_40 : memref<144x256xf32, #tpu.memory_space<hbm>>)
      tpu.yield
    }) : () -> ()
    return
  }
}

module attributes {stable_mosaic.version = 14 : i64} {
  func.func @_vq_tc_body(%arg0: i32, %arg1: memref<512x256xf32, #tpu.memory_space<vmem>>, %arg2: memref<1024x256xf32, #tpu.memory_space<vmem>>, %arg3: memref<512x1xf32, #tpu.memory_space<vmem>>, %arg4: memref<1x1024xf32, #tpu.memory_space<vmem>>, %arg5: memref<1x1x512xi32, #tpu.memory_space<vmem>>, %arg6: memref<1x1xf32, #tpu.memory_space<smem>>) attributes {dimension_semantics = [#tpu.dimension_semantics<arbitrary>], iteration_bounds = array<i64: 9>, scalar_prefetch = 0 : i64, scratch_operands = 0 : i64, tpu.core_type = #tpu.core_type<tc>, window_params = [{transform_indices = @transform_0, window_bounds = array<i64: 512, 256>}, {pipeline_mode = #tpu.pipeline_mode<synchronous>, transform_indices = @transform_1, window_bounds = array<i64: 1024, 256>}, {transform_indices = @transform_2, window_bounds = array<i64: 512, 1>}, {pipeline_mode = #tpu.pipeline_mode<synchronous>, transform_indices = @transform_3, window_bounds = array<i64: 1, 1024>}, {transform_indices = @transform_4, window_bounds = array<i64: 1, 1, 512>}, {transform_indices = @transform_5, window_bounds = array<i64: 1, 1>}]} {
    %get3A = arith.constant 0 : index
    %get3A_0 = arith.constant 0 : index
    %get3A_1 = vector.load %arg1[%get3A, %get3A_0] : memref<512x256xf32, #tpu.memory_space<vmem>>, vector<512x256xf32>
    %get3A_2 = arith.constant 0 : index
    %get3A_3 = arith.constant 0 : index
    %get3A_4 = vector.load %arg2[%get3A_2, %get3A_3] : memref<1024x256xf32, #tpu.memory_space<vmem>>, vector<1024x256xf32>
    %get3A_5 = arith.constant 0 : index
    %get3A_6 = arith.constant 0 : index
    %get3A_7 = vector.load %arg3[%get3A_5, %get3A_6] : memref<512x1xf32, #tpu.memory_space<vmem>>, vector<512x1xf32>
    %get3A_8 = arith.constant 0 : index
    %get3A_9 = arith.constant 0 : index
    %get3A_10 = vector.load %arg4[%get3A_8, %get3A_9] : memref<1x1024xf32, #tpu.memory_space<vmem>>, vector<1x1024xf32>
    %get3A_11 = vector.shape_cast %get3A_10 : vector<1x1024xf32> to vector<1024xf32>
    %transpose3A = tpu.transpose %get3A_4, [1, 0] : vector<1024x256xf32> -> vector<256x1024xf32>
    %dot_general3A = arith.constant dense<0.000000e+00> : vector<512x1024xf32>
    %dot_general3A_12 = tpu.matmul %get3A_1, %transpose3A, %dot_general3A {dimension_numbers = #tpu.dot_dimension_numbers<[1], [0], [0], [1], [0, 0, 1, 1], [], []>, transpose_lhs_hint = false} : vector<512x256xf32>, vector<256x1024xf32>, vector<512x1024xf32> -> vector<512x1024xf32>
    %broadcast_in_dim3A = vector.shape_cast %get3A_11 : vector<1024xf32> to vector<1x1024xf32>
    %add3A = vector.broadcast %get3A_7 : vector<512x1xf32> to vector<512x1024xf32>
    %add3A_13 = vector.broadcast %broadcast_in_dim3A : vector<1x1024xf32> to vector<512x1024xf32>
    %add3A_14 = arith.addf %add3A, %add3A_13 : vector<512x1024xf32>
    %mul3A = arith.constant 2.000000e+00 : f32
    %mul3A_15 = vector.broadcast %mul3A : f32 to vector<512x1024xf32>
    %mul3A_16 = arith.mulf %mul3A_15, %dot_general3A_12 : vector<512x1024xf32>
    %sub3A = arith.subf %add3A_14, %mul3A_16 : vector<512x1024xf32>
    %max3A = arith.constant 0.000000e+00 : f32
    %max3A_17 = vector.broadcast %max3A : f32 to vector<512x1024xf32>
    %max3A_18 = arith.maximumf %sub3A, %max3A_17 : vector<512x1024xf32>
    %sqrt3A = math.sqrt %max3A_18 : vector<512x1024xf32>
    %reduce_min3A = arith.constant dense<0x7F800000> : vector<512xf32>
    %reduce_min3A_19 = vector.multi_reduction <minimumf>, %sqrt3A, %reduce_min3A [1] : vector<512x1024xf32> to vector<512xf32>
    %broadcast_in_dim3A_20 = vector.shape_cast %reduce_min3A_19 : vector<512xf32> to vector<512x1xf32>
    %iota3A = tpu.iota {dimensions = array<i32: 1>} : vector<512x1024xi32>
    %eq3A = vector.broadcast %broadcast_in_dim3A_20 : vector<512x1xf32> to vector<512x1024xf32>
    %eq3A_21 = arith.cmpf oeq, %sqrt3A, %eq3A : vector<512x1024xf32>
    %jit3A = arith.constant 1024 : i32
    %broadcast_in_dim3A_22 = vector.broadcast %jit3A : i32 to vector<512x1024xi32>
    %select_n3A = arith.select %eq3A_21, %iota3A, %broadcast_in_dim3A_22 : vector<512x1024xi1>, vector<512x1024xi32>
    %reduce_min3A_23 = arith.constant dense<2147483647> : vector<512xi32>
    %reduce_min3A_24 = vector.multi_reduction <minsi>, %select_n3A, %reduce_min3A_23 [1] : vector<512x1024xi32> to vector<512xi32>
    %reshape3A = vector.shape_cast %reduce_min3A_24 : vector<512xi32> to vector<1x1x512xi32>
    %swap3A = arith.constant 0 : index
    %swap3A_25 = arith.constant 0 : index
    %swap3A_26 = arith.constant 0 : index
    %swap3A_27 = vector.load %arg5[%swap3A, %swap3A_25, %swap3A_26] : memref<1x1x512xi32, #tpu.memory_space<vmem>>, vector<1x1x512xi32>
    tpu.vector_store %arg5[%swap3A, %swap3A_25, %swap3A_26], %reshape3A {strides = array<i32>} : memref<1x1x512xi32, #tpu.memory_space<vmem>>, vector<1x1x512xi32>,
    %eq3A_28 = arith.constant 0 : i32
    %eq3A_29 = arith.cmpi eq, %arg0, %eq3A_28 : i32
    %convert_element_type3A = arith.extui %eq3A_29 : i1 to i32
    %cond3A = arith.constant 0 : i32
    %cond3A_30 = arith.cmpi ne, %convert_element_type3A, %cond3A : i32
    scf.if %cond3A_30 {
      %swap3A_43 = arith.constant 0.000000e+00 : f32
      %swap3A_44 = arith.constant 0 : index
      %swap3A_45 = arith.constant 0 : index
      %swap3A_46 = memref.load %arg6[%swap3A_44, %swap3A_45] : memref<1x1xf32, #tpu.memory_space<smem>>
      memref.store %swap3A_43, %arg6[%swap3A_44, %swap3A_45] : memref<1x1xf32, #tpu.memory_space<smem>>
    } else {
    }
    %get3A_31 = arith.constant 0 : index
    %get3A_32 = arith.constant 0 : index
    %get3A_33 = memref.load %arg6[%get3A_31, %get3A_32] : memref<1x1xf32, #tpu.memory_space<smem>>
    %mul3A_34 = arith.mulf %broadcast_in_dim3A_20, %broadcast_in_dim3A_20 : vector<512x1xf32>
    %reduce_sum3A = vector.shape_cast %mul3A_34 : vector<512x1xf32> to vector<1x512x1xf32>
    %reduce_sum3A_35 = arith.constant dense<0.000000e+00> : vector<1xf32>
    %reduce_sum3A_36 = vector.multi_reduction <add>, %reduce_sum3A, %reduce_sum3A_35 [1, 2] : vector<1x512x1xf32> to vector<1xf32>
    %reduce_sum3A_37 = vector.shape_cast %reduce_sum3A_36 : vector<1xf32> to vector<1x1x1xf32>
    %reduce_sum3A_38 = vector.extract %reduce_sum3A_37[0, 0, 0] : f32 from vector<1x1x1xf32>
    %add3A_39 = arith.addf %get3A_33, %reduce_sum3A_38 : f32
    %swap3A_40 = arith.constant 0 : index
    %swap3A_41 = arith.constant 0 : index
    %swap3A_42 = memref.load %arg6[%swap3A_40, %swap3A_41] : memref<1x1xf32, #tpu.memory_space<smem>>
    memref.store %add3A_39, %arg6[%swap3A_40, %swap3A_41] : memref<1x1xf32, #tpu.memory_space<smem>>
    return
  }
  func.func @transform_0(%arg0: i32) -> (i32, i32) {
    %c0_i32 = arith.constant 0 : i32
    %c0_i32_0 = arith.constant 0 : i32
    return %arg0, %c0_i32 : i32, i32
  }
  func.func @transform_1(%arg0: i32) -> (i32, i32) {
    %c0_i32 = arith.constant 0 : i32
    %c0_i32_0 = arith.constant 0 : i32
    %c0_i32_1 = arith.constant 0 : i32
    return %c0_i32, %c0_i32_0 : i32, i32
  }
  func.func @transform_2(%arg0: i32) -> (i32, i32) {
    %c0_i32 = arith.constant 0 : i32
    %c0_i32_0 = arith.constant 0 : i32
    return %arg0, %c0_i32 : i32, i32
  }
  func.func @transform_3(%arg0: i32) -> (i32, i32) {
    %c0_i32 = arith.constant 0 : i32
    %c0_i32_0 = arith.constant 0 : i32
    %c0_i32_1 = arith.constant 0 : i32
    return %c0_i32, %c0_i32_0 : i32, i32
  }
  func.func @transform_4(%arg0: i32) -> (i32, i32, i32) {
    %c0_i32 = arith.constant 0 : i32
    %c0_i32_0 = arith.constant 0 : i32
    %c0_i32_1 = arith.constant 0 : i32
    return %arg0, %c0_i32, %c0_i32_0 : i32, i32, i32
  }
  func.func @transform_5(%arg0: i32) -> (i32, i32) {
    %c0_i32 = arith.constant 0 : i32
    %c0_i32_0 = arith.constant 0 : i32
    %c0_i32_1 = arith.constant 0 : i32
    return %c0_i32, %c0_i32_0 : i32, i32
  }
}

</mosaic_0001>

<sc_bundles>
// kernel: kernel.4.cloned.1.call-start
scs
__scs_entry_jumppad:
0x0: {  	(pc) =	sbr.rel $0x88, $3  }
0x1: {  	(tag) =	ssettag $0x0;
	lr =	simm.s32 $0x1  }
0x2: {  	[smem:$0x3F9F] =	sst lr;
	_ =	strace $0xD0000000  }
0x3: {  	_ = 	snop  }
0x4: {  	_ = 	snop  }
0x5: {  	_ = 	snop  }
0x6: {  	_ = 	snop  }
0x7: {  	_ = 	snop  }
__scs_overlays_trampoline_lowered:
0x8: {  	[smem:$0x3FAE] =	sst s0  }
0x9: {  	[smem:$0x3FAF] =	sst s1  }
0xa: {  	[smem:$0x3FB0] =	sst s2  }
0xb: {  	[smem:$0x3FB1] =	sst s3  }
0xc: {  	[smem:$0x3FB2] =	sst s4  }
0xd: {  	[smem:$0x3FB3] =	sst s5  }
0xe: {  	[smem:$0x3FB4] =	sst s6  }
0xf: {  	[smem:$0x3FB5] =	sst s7  }
0x10: {  	[smem:$0x3FB6] =	sst s8  }
0x11: {  	[smem:$0x3FB7] =	sst s9;
	s0 =	simm.s32 @!p0 $0x0  }
0x12: {  	s1 =	sld [smem:$0x3F9D];
	s0 =	simm.s32 @p0 $0x1  }
0x13: {  	[smem:$0x3FB8] =	sst s0;
	s0 =	simm.s32 @!p1 $0x0  }
0x14: {  	s2 =	sld [smem:$0x3F9C];
	s0 =	simm.s32 @p1 $0x1  }
0x15: {  	[smem:$0x3FB9] =	sst s0;
	s0 =	simm.s32 @!p2 $0x0  }
0x16: {  	s3 =	sld [smem:$0x3FDB];
	s0 =	simm.s32 @p2 $0x1  }
0x17: {  	s4 =	simm.s32 $0x1BF5;
	[smem:$0x3FBB] =	sst s0  }
0x18: {  	s0 =	sld [smem:$0x3F9E];
	_ =	swait.ge [sflag:s4], $0x0  }
0x19: {  	s7 =	sld [smem:$0x3F9F]  }
0x1a: {  	s8 =	sadd.s32 $0xFFFFE003, lr  }
0x1b: {  	s9 =	sadd.s32 $0xFFFFFEF7, lr;
	s5 =	simm.s32 $0xFFFFFFFF;
	p2 =	slt.u32 s8, $0xFFFFF086  }
0x1c: {  	p1 =	slt.u32 s9, $0xF7A;
	s5 =	simm.s32 @!p2 $0x0  }
0x1d: {  	s5 =	simm.s32 @p1 $0x1;
	p0 =	seq.s32 s7, s2  }
0x1e: {  	s7 =	smul.u32 @!p0 $0xF7A, s2;
	p2 =	seq.s32 @!p0 s5, $0x0  }
0x1f: {  	s9 =	smul.u32 $0xF7A, s1;
	s8 =	simm.s32 @!p0 $0x1BF5;
	p2 =	por !p2, p0  }
0x20: {  	[sflag:s8] =	ssyncset.s32 @!p0 $0xFFFFF086;
	s6 =	sadd.s32 @!p0 s3, s7;
	s7 =	simm.s32 @!p0 $0x108  }
0x21: {  	s3 =	sadd.s32 s3, s9;
	s6 =	sadd.s32 @!p0 $0x88, s6;
	s7 =	simm.s32 @p2 $0x1082  }
0x22: {  	[simem:s7], [sflag:s8] =	dma.local @!p0 [hbm:s6], $0xF7A  }
0x23: {  	s9 =	sor.u32 $0xD0000000, s2;
	s6 =	simm.s32 $0x108;
	_ =	swait.ge @!p0 [sflag:s8], $0x0  }
0x24: {  	s3 =	sadd.s32 $0x88, s3;
	s6 =	simm.s32 @!p1 $0x1082;
	[sflag:s4] =	ssyncset.s32 $0xFFFFF086  }
0x25: {  	[simem:s6], [sflag:s4] =	dma.local [hbm:s3], $0xF7A  }
0x26: {  	[smem:$0x3F9F] =	sst s1;
	(tag) =	ssettag s2;
	_ =	strace s9  }
0x27: {  	s1 =	sld [smem:$0x3FAF]  }
0x28: {  	s2 =	sld [smem:$0x3FB0]  }
0x29: {  	s4 =	sld [smem:$0x3FB2]  }
0x2a: {  	p0 =	seq.s32 s5, $0x0;
	s5 =	sld [smem:$0x3FB3]  }
0x2b: {  	s6 =	sld [smem:$0x3FB4]  }
0x2c: {  	s7 =	sld [smem:$0x3FB5]  }
0x2d: {  	s3 =	simm.s32 $0x108;
	s8 =	sld [smem:$0x3FB6]  }
0x2e: {  	s3 =	simm.s32 @!p0 $0x1082;
	s9 =	sld [smem:$0x3FB7]  }
0x2f: {  	lr =	sadd.s32 s0, s3;
	s0 =	sld [smem:$0x3FAE]  }
0x30: {  	s3 =	sld [smem:$0x3FB1]  }
0x31: {  	[smem:$0x3FBA] =	sst s10  }
0x32: {  	s10 =	sld [smem:$0x3FB8];
	_ =	sdelay $0x3  }
0x33: {  	p0 =	seq.s32 s10, $0x1;
	s10 =	sld [smem:$0x3FBA];
	_ =	sdelay $0x3  }
0x34: {  	[smem:$0x3FBA] =	sst s10  }
0x35: {  	s10 =	sld [smem:$0x3FB9];
	_ =	sdelay $0x3  }
0x36: {  	p1 =	seq.s32 s10, $0x1;
	s10 =	sld [smem:$0x3FBA];
	_ =	sdelay $0x3  }
0x37: {  	[smem:$0x3FBA] =	sst s10  }
0x38: {  	s10 =	sld [smem:$0x3FBB]  }
0x39: {  	_ = 	snop;
	(pc) =	sbr.ind lr, $3  }
0x3a: {  	_ = 	snop  }
0x3b: {  	_ = 	snop  }
0x3c: {  	p2 =	seq.s32 s10, $0x1;
	s10 =	sld [smem:$0x3FBA]  }
0x3d: {  	_ =	shalt  }
0x3e: {  	_ =	shalt  }
0x3f: {  	_ =	shalt  }
0x40: {  	_ =	shalt  }
0x41: {  	_ =	shalt  }
0x42: {  	_ =	shalt  }
0x43: {  	_ =	shalt  }
0x44: {  	_ =	shalt  }
0x45: {  	_ =	shalt  }
0x46: {  	_ =	shalt  }
0x47: {  	_ =	shalt  }
0x48: {  	_ =	shalt  }
0x49: {  	_ =	shalt  }
0x4a: {  	_ =	shalt  }
0x4b: {  	_ =	shalt  }
0x4c: {  	_ =	shalt  }
0x4d: {  	_ =	shalt  }
0x4e: {  	_ =	shalt  }
0x4f: {  	_ =	shalt  }
0x50: {  	_ =	shalt  }
0x51: {  	_ =	shalt  }
0x52: {  	_ =	shalt  }
0x53: {  	_ =	shalt  }
0x54: {  	_ =	shalt  }
0x55: {  	_ =	shalt  }
0x56: {  	_ =	shalt  }
0x57: {  	_ =	shalt  }
0x58: {  	_ =	shalt  }
0x59: {  	_ =	shalt  }
0x5a: {  	_ =	shalt  }
0x5b: {  	_ =	shalt  }
0x5c: {  	_ =	shalt  }
0x5d: {  	_ =	shalt  }
0x5e: {  	_ =	shalt  }
0x5f: {  	_ =	shalt  }
0x60: {  	_ =	shalt  }
0x61: {  	_ =	shalt  }
0x62: {  	_ =	shalt  }
0x63: {  	_ =	shalt  }
0x64: {  	_ =	shalt  }
0x65: {  	_ =	shalt  }
0x66: {  	_ =	shalt  }
0x67: {  	_ =	shalt  }
0x68: {  	_ =	shalt  }
0x69: {  	_ =	shalt  }
0x6a: {  	_ =	shalt  }
0x6b: {  	_ =	shalt  }
0x6c: {  	_ =	shalt  }
0x6d: {  	_ =	shalt  }
0x6e: {  	_ =	shalt  }
0x6f: {  	_ =	shalt  }
0x70: {  	_ =	shalt  }
0x71: {  	_ =	shalt  }
0x72: {  	_ =	shalt  }
0x73: {  	_ =	shalt  }
0x74: {  	_ =	shalt  }
0x75: {  	_ =	shalt  }
0x76: {  	_ =	shalt  }
0x77: {  	_ =	shalt  }
0x78: {  	_ =	shalt  }
0x79: {  	_ =	shalt  }
0x7a: {  	_ =	shalt  }
0x7b: {  	_ =	shalt  }
0x7c: {  	_ =	shalt  }
0x7d: {  	_ =	shalt  }
0x7e: {  	_ =	shalt  }
0x7f: {  	_ =	shalt  }
0x80: {  	_ =	shalt  }
0x81: {  	_ =	shalt  }
0x82: {  	_ =	shalt  }
0x83: {  	_ =	shalt  }
0x84: {  	_ =	shalt  }
0x85: {  	_ =	shalt  }
0x86: {  	_ =	shalt  }
0x87: {  	_ =	shalt  }
.Lfunc_end0:
.L_simem_size_0:
called_computation_lowered:
.L_overlay_start_0:
0x88: {  	s2 =	sld [smem:$0x3FD9]  }
0x89: {  	s3 =	sld [smem:$0x3FFE];
	_ =	sdelay $0x1  }
0x8a: {  	s1 =	srdreg.scid  }
0x8b: {  	s0 =	sand.u32 $0x1, s1  }
0x8c: {  	s14 =	sshll.u32 s0, $0xA;
	s2 =	sadd.s32 s3, s2  }
0x8d: {  	s2 =	sadd.s32 s2, s14  }
0x8e: {  	[smem:$0x3FC6] =	sst s2  }
0x8f: {  	_ = 	snop  }
0x90: {  	s2 =	sld [smem:$0x3FD0];
	_ =	sdelay $0x2  }
0x91: {  	s4 =	simm.s32 $0xA;
	s5 =	simm.s32 $0x10;
	s15 =	sld [smem:$0x3FC8]  }
0x92: {  	[smem:s5], [sflag:s4] =	dma.local [hbm:s2], $0x1  }
0x93: {  	_ =	swait.eq [sflag:s4], $0x1  }
0x94: {  	[sflag:s4] =	ssyncset.done $0x0  }
0x95: {  	[sflag:s4] =	ssyncadd.s32 $0xFFFFFFFF  }
0x96: {  	s16 =	sld [smem:$0x10];
	(tm) =	ssettm $0x1  }
0x97: {  	s17 =	sld [smem:$0x3FFB];
	_ =	sdelay $0x3  }
0x98: {  	_ =	strace s17  }
0x99: {  	s4 =	sld [smem:$0x3FFC];
	_ =	sdelay $0x3  }
0x9a: {  	_ =	strace s4  }
0x9b: {  	s4 =	sld [smem:$0x3FFD];
	_ =	sdelay $0x3  }
0x9c: {  	_ =	strace s4  }
0x9d: {  	_ =	strace $0x8FFFFFFF  }
0x9e: {  	s18 =	sld [smem:$0x3FDB];
	_ =	sdelay $0x1  }
0x9f: {  	s19 =	simm.s32 $_scs_section_size  }
0xa0: {  	s6 =	simm.s32 $_size__tile_overlayer_lowered;
	s7 =	simm.s32 $_tile_overlayer_lowered  }
0xa1: {  	s22 =	simm.s32 $0x1BFF;
	s21 =	sshll.u32 s7, $0x1;
	s4 =	sadd.s32 s19, s18  }
0xa2: {  	s8 =	simm.s32 $0x0;
	s20 =	sshll.u32 s6, $0x1;
	s6 =	sadd.s32 s21, s4  }
0xa3: {  	[timem:s8], [sflag:s22] =	dma.local [hbm:s6], s20  }
0xa4: {  	_ =	swait.ge [sflag:s22], s20  }
0xa5: {  	s5 =	ssub.s32 $0x0, s20;
	[sflag:s22] =	ssyncset.done $0x0  }
0xa6: {  	[sflag:s22] =	ssyncadd.s32 s5;
	_ =	sdelay $0x1  }
0xa7: {  	s23 =	simm.s32 $0x1B8B  }
0xa8: {  	_ =	swait.ge [sflag:s23], $0x1  }
0xa9: {  	[sflag:s23] =	ssyncset.done $0x0  }
0xaa: {  	s25 =	simm.s32 $0x1B8E;
	s24 =	sld [smem:$0x3FFE];
	[sflag:s23] =	ssyncadd.s32 $0xFFFFFFFF  }
0xab: {  	s26 =	simm.s32 $execute0_lowered;
	[smem:$0x3FD2] =	sst s25  }
0xac: {  	s6 =	sshll.u32 s26, $0x1;
	_ =	strace $0x80000046;
	[dreg:$0x1] =	wrdreg $0xFFFFFFFF  }
0xad: {  	s28 =	simm.s32 $_size_execute0_lowered;
	s4 =	sadd.s32 s4, s6;
	[dreg:$0x0] =	wrdreg $0x0  }
0xae: {  	s6 =	sshll.u32 s28, $0x1;
	[dreg:$0x2] =	wrdreg s4  }
0xaf: {  	[dreg:$0x3] =	wrdreg s6  }
0xb0: {  	[dreg:$0x4] =	wrdreg $0xC0  }
0xb1: {  	_ =	task [dreg:s8], $0x5FFFF  }
0xb2: {  	[dreg:$0x1] =	wrdreg $0xFFFFFFFF  }
0xb3: {  	[dreg:$0x0] =	wrdreg $0x60  }
0xb4: {  	[dreg:$0x2] =	wrdreg s15  }
0xb5: {  	[dreg:$0x3] =	wrdreg s24  }
0xb6: {  	[dreg:$0x4] =	wrdreg s16  }
0xb7: {  	[dreg:$0x5] =	wrdreg $0x9  }
0xb8: {  	_ =	task.clear_ibuf [dreg:s8], $0x6FFFF;
	_ =	strace $0x90000046  }
0xb9: {  	s29 =	simm.s32 $0x9;
	_ =	strace $0x80000048  }
0xba: {  	_ =	swait.ge [sflag:s29], $0x1  }
0xbb: {  	[sflag:s29] =	ssyncadd.s32 $0xFFFFFFFF  }
0xbc: {  	_ =	strace $0x90000048  }
0xbd: {  	_ =	sfence  }
0xbe: {  	s30 =	sld [smem:$0x0];
	_ =	sdelay $0x2  }
0xbf: {  	s31 =	sshll.u32 s1, $0xD;
	s1 =	sshrl.u32 s1, $0x2  }
0xc0: {  	s3 =	sand.u32 $0x4000, s31;
	s1 =	sadd.s32 s1, s30  }
0xc1: {  	s0 =	sor.u32 s3, s0;
	s1 =	sshll.u32 s1, $0x11  }
0xc2: {  	s0 =	sor.u32 s1, s0  }
0xc3: {  	s0 =	sadd.s32 $0x8F2B, s0  }
0xc4: {  	[sflag:s0] =	ssyncadd.remote.s32 $0x1  }
0xc5: {  	_ =	sfence.sel $0xFFFF  }
0xc6: {  	[dreg:$0x0] =	wrdreg $0xFFFFFFFF;
	(pc) =	sbr.abs _section_cstart, $3  }
0xc7: {  	[dreg:$0x1] =	wrdreg $0xFFFFFFFF  }
0xc8: {  	_ =	task.clear_ibuf [dreg:s8], $0x2FFFF;
	_ =	strace $0x9FFFFFFF  }
0xc9: {  	(tm) =	ssettm $0x7FFFFFFF  }
tec
execute0_lowered:
.L_overlay_start_1:
0x0: {  	(tag) =	ssettag $0x1  }
0x1: {  	s1 =	rddreg [dreg:$0x0];
	s2 =	srdreg.scid  }
0x2: {  	s0 =	stileid.u32;
	s4 =	rddreg [dreg:$0x1]  }
0x3: {  	s6 =	rddreg [dreg:$0x2];
	s3 =	simm.s32 $0x0;
	s10 =	simm.s32 $0x1100  }
0x4: {  	s11 =	simm.s32 $0x1900;
	s12 =	simm.s32 $0x2100;
	s13 =	simm.s32 $0x2900  }
0x5: {  	s14 =	simm.s32 $0x3100;
	s15 =	simm.s32 $0x3900;
	s16 =	simm.s32 $0x4100  }
0x6: {  	s17 =	simm.s32 $0x4900;
	s18 =	simm.s32 $0x5100;
	s19 =	simm.s32 $0x5900  }
0x7: {  	s20 =	simm.s32 $0x6100;
	s21 =	simm.s32 $0x6900;
	s22 =	simm.s32 $0x7100  }
0x8: {  	s23 =	simm.s32 $0x7900;
	s5 =	sand.u32 $0x1, s2;
	s31 =	sshll.u32 s0, $0x1  }
0x9: {  	s24 =	simm.s32 $0x8100;
	s25 =	simm.s32 $0x8900;
	s7 =	sor.u32 s5, s31  }
0xa: {  	s26 =	simm.s32 $0x1;
	s5 =	ssub.s32 $0x2, s5;
	s8 =	smul.u32 $0x12, s7  }
0xb: {  	[smem:$0x7FF] =	sst s3;
	s7 =	smul.u32 $0x1200, s7;
	s9 =	sshrl.u32 s5, $0x1  }
0xc: {  	v2 =	vlaneseq.u32;
	s2 =	rddreg [dreg:$0x3];
	_ =	strace $0x80000047;
	s9 =	ssub.s32 s5, s9  }
0xd: {  	vm0 =	vmmov $0xffff;
	v1 =	vshrl.u32 v2, $0x3;
	s4 =	sadd.s32 s4, s8;
	s5 =	sadd.s32 s6, s7;
	s6 =	smax.u32 s9, $0x1  }
0xe: {  	v0 =	vand.u32 $0x7, v2;
	v2 =	vor.u32 $0x8, v2;
	v1 =	vmul.u32 $0x8, v1;
	s7 =	simm.s32 $0x2;
	s8 =	simm.s32 $0x100;
	s9 =	simm.s32 $0x900  }
.LBB2_1:
0xf: {  	[tilespmem:s3], [sflag:$0x2] =	stream.linear.gather [hbm4b:s4+s3], $0x90, $0x38;
	[tilespmem:$0x9100] =	vst v63  }
0x10: {  	_ =	swait.ge [sflag:s7], $0x90  }
0x11: {  	[sflag:s7] =	ssyncset.done $0x0  }
0x12: {  	[sflag:s7] =	ssyncadd.s32 $0xFFFFFF70  }
0x13: {  	v3 =	vld [tilespmem:$0x0];
	_ =	sdelay $0x4  }
0x14: {  	v4 =	vshll.u32 v3, $0x1  }
0x15: {  	v3 =	vand.u32 $0x7, v3;
	v4 =	vand.u32 $0xFFFFFFF0, v4  }
0x16: {  	v3 =	vor.u32 v3, v4  }
0x17: {  	v4 =	vperm.xlane v3, v0;
	_ =	sdelay $0x1  }
0x18: {  	v3 =	vperm.xlane v3, v2;
	v4 =	vadd.s32 v1, v4;
	_ =	sdelay $0x1  }
0x19: {  	v3 =	vadd.s32 v1, v3;
	_ =	sdelay $0x2  }
0x1a: {  	[tilespmem:s8], [sflag:$0x1] =	stream.indirect_vreg.gather [hbm4b:s1+s3], $0x80, v4, vm0, $0xb8;
	[tilespmem:$0x9100] =	vst v63  }
0x1b: {  	_ = 	snop  }
0x1c: {  	[tilespmem:s9], [sflag:$0x1] =	stream.indirect_vreg.gather [hbm4b:s1+s3], $0x80, v3, vm0, $0xb8;
	[tilespmem:$0x9100] =	vst v63  }
0x1d: {  	v3 =	vld [tilespmem:$0x10];
	_ =	sdelay $0x4  }
0x1e: {  	v55 =	vshll.u32 v3, $0x1  }
0x1f: {  	v3 =	vand.u32 $0x7, v3;
	v4 =	vand.u32 $0xFFFFFFF0, v55  }
0x20: {  	v3 =	vor.u32 v3, v4  }
0x21: {  	v4 =	vperm.xlane v3, v0;
	_ =	sdelay $0x1  }
0x22: {  	v3 =	vperm.xlane v3, v2;
	v4 =	vadd.s32 v1, v4;
	_ =	sdelay $0x1  }
0x23: {  	v3 =	vadd.s32 v1, v3;
	_ =	sdelay $0x2  }
0x24: {  	[tilespmem:s10], [sflag:$0x1] =	stream.indirect_vreg.gather [hbm4b:s1+s3], $0x80, v4, vm0, $0xb8;
	[tilespmem:$0x9100] =	vst v63  }
0x25: {  	_ = 	snop  }
0x26: {  	[tilespmem:s11], [sflag:$0x1] =	stream.indirect_vreg.gather [hbm4b:s1+s3], $0x80, v3, vm0, $0xb8;
	[tilespmem:$0x9100] =	vst v63  }
0x27: {  	v3 =	vld [tilespmem:$0x20];
	_ =	sdelay $0x4  }
0x28: {  	v56 =	vshll.u32 v3, $0x1  }
0x29: {  	v3 =	vand.u32 $0x7, v3;
	v4 =	vand.u32 $0xFFFFFFF0, v56  }
0x2a: {  	v3 =	vor.u32 v3, v4  }
0x2b: {  	v4 =	vperm.xlane v3, v0;
	_ =	sdelay $0x1  }
0x2c: {  	v3 =	vperm.xlane v3, v2;
	v4 =	vadd.s32 v1, v4;
	_ =	sdelay $0x1  }
0x2d: {  	v3 =	vadd.s32 v1, v3;
	_ =	sdelay $0x2  }
0x2e: {  	[tilespmem:s12], [sflag:$0x1] =	stream.indirect_vreg.gather [hbm4b:s1+s3], $0x80, v4, vm0, $0xb8;
	[tilespmem:$0x9100] =	vst v63  }
0x2f: {  	_ = 	snop  }
0x30: {  	[tilespmem:s13], [sflag:$0x1] =	stream.indirect_vreg.gather [hbm4b:s1+s3], $0x80, v3, vm0, $0xb8;
	[tilespmem:$0x9100] =	vst v63  }
0x31: {  	v3 =	vld [tilespmem:$0x30];
	_ =	sdelay $0x4  }
0x32: {  	v57 =	vshll.u32 v3, $0x1  }
0x33: {  	v3 =	vand.u32 $0x7, v3;
	v4 =	vand.u32 $0xFFFFFFF0, v57  }
0x34: {  	v3 =	vor.u32 v3, v4  }
0x35: {  	v4 =	vperm.xlane v3, v0;
	_ =	sdelay $0x1  }
0x36: {  	v3 =	vperm.xlane v3, v2;
	v4 =	vadd.s32 v1, v4;
	_ =	sdelay $0x1  }
0x37: {  	v3 =	vadd.s32 v1, v3;
	_ =	sdelay $0x2  }
0x38: {  	[tilespmem:s14], [sflag:$0x1] =	stream.indirect_vreg.gather [hbm4b:s1+s3], $0x80, v4, vm0, $0xb8;
	[tilespmem:$0x9100] =	vst v63  }
0x39: {  	_ = 	snop  }
0x3a: {  	[tilespmem:s15], [sflag:$0x1] =	stream.indirect_vreg.gather [hbm4b:s1+s3], $0x80, v3, vm0, $0xb8;
	[tilespmem:$0x9100] =	vst v63  }
0x3b: {  	v3 =	vld.msk [tilespmem:$0x40], $0xff;
	_ =	sdelay $0x4  }
0x3c: {  	v58 =	vshll.u32 v3, $0x1  }
0x3d: {  	v3 =	vand.u32 $0x7, v3;
	v4 =	vand.u32 $0xFFFFFFF0, v58  }
0x3e: {  	v3 =	vor.u32 v3, v4  }
0x3f: {  	v3 =	vperm.xlane v3, v0;
	_ =	sdelay $0x1  }
0x40: {  	v3 =	vadd.s32 v1, v3;
	_ =	sdelay $0x4  }
0x41: {  	[tilespmem:s16], [sflag:$0x1] =	stream.indirect_vreg.gather [hbm4b:s1+s3], $0x80, v3, vm0, $0xb8;
	[tilespmem:$0x9100] =	vst v63  }
0x42: {  	v3 =	vld [tilespmem:$0x48];
	_ =	sdelay $0x4  }
0x43: {  	v59 =	vshll.u32 v3, $0x1  }
0x44: {  	v3 =	vand.u32 $0x7, v3;
	v4 =	vand.u32 $0xFFFFFFF0, v59  }
0x45: {  	v3 =	vor.u32 v3, v4  }
0x46: {  	v4 =	vperm.xlane v3, v0;
	_ =	sdelay $0x1  }
0x47: {  	v3 =	vperm.xlane v3, v2;
	v4 =	vadd.s32 v1, v4;
	_ =	sdelay $0x1  }
0x48: {  	v3 =	vadd.s32 v1, v3;
	_ =	sdelay $0x2  }
0x49: {  	[tilespmem:s17], [sflag:$0x1] =	stream.indirect_vreg.gather [hbm4b:s1+s3], $0x80, v4, vm0, $0xb8;
	[tilespmem:$0x9100] =	vst v63  }
0x4a: {  	_ = 	snop  }
0x4b: {  	[tilespmem:s18], [sflag:$0x1] =	stream.indirect_vreg.gather [hbm4b:s1+s3], $0x80, v3, vm0, $0xb8;
	[tilespmem:$0x9100] =	vst v63  }
0x4c: {  	v3 =	vld [tilespmem:$0x58];
	_ =	sdelay $0x4  }
0x4d: {  	v60 =	vshll.u32 v3, $0x1  }
0x4e: {  	v3 =	vand.u32 $0x7, v3;
	v4 =	vand.u32 $0xFFFFFFF0, v60  }
0x4f: {  	v3 =	vor.u32 v3, v4  }
0x50: {  	v4 =	vperm.xlane v3, v0;
	_ =	sdelay $0x1  }
0x51: {  	v3 =	vperm.xlane v3, v2;
	v4 =	vadd.s32 v1, v4;
	_ =	sdelay $0x1  }
0x52: {  	v3 =	vadd.s32 v1, v3;
	_ =	sdelay $0x2  }
0x53: {  	[tilespmem:s19], [sflag:$0x1] =	stream.indirect_vreg.gather [hbm4b:s1+s3], $0x80, v4, vm0, $0xb8;
	[tilespmem:$0x9100] =	vst v63  }
0x54: {  	_ = 	snop  }
0x55: {  	[tilespmem:s20], [sflag:$0x1] =	stream.indirect_vreg.gather [hbm4b:s1+s3], $0x80, v3, vm0, $0xb8;
	[tilespmem:$0x9100] =	vst v63  }
0x56: {  	v3 =	vld [tilespmem:$0x68];
	_ =	sdelay $0x4  }
0x57: {  	v61 =	vshll.u32 v3, $0x1  }
0x58: {  	v3 =	vand.u32 $0x7, v3;
	v4 =	vand.u32 $0xFFFFFFF0, v61  }
0x59: {  	v3 =	vor.u32 v3, v4  }
0x5a: {  	v4 =	vperm.xlane v3, v0;
	_ =	sdelay $0x1  }
0x5b: {  	v3 =	vperm.xlane v3, v2;
	v4 =	vadd.s32 v1, v4;
	_ =	sdelay $0x1  }
0x5c: {  	v3 =	vadd.s32 v1, v3;
	_ =	sdelay $0x2  }
0x5d: {  	[tilespmem:s21], [sflag:$0x1] =	stream.indirect_vreg.gather [hbm4b:s1+s3], $0x80, v4, vm0, $0xb8;
	[tilespmem:$0x9100] =	vst v63  }
0x5e: {  	_ = 	snop  }
0x5f: {  	[tilespmem:s22], [sflag:$0x1] =	stream.indirect_vreg.gather [hbm4b:s1+s3], $0x80, v3, vm0, $0xb8;
	[tilespmem:$0x9100] =	vst v63  }
0x60: {  	v3 =	vld [tilespmem:$0x78];
	_ =	sdelay $0x4  }
0x61: {  	v62 =	vshll.u32 v3, $0x1  }
0x62: {  	v3 =	vand.u32 $0x7, v3;
	v4 =	vand.u32 $0xFFFFFFF0, v62  }
0x63: {  	v3 =	vor.u32 v3, v4  }
0x64: {  	v4 =	vperm.xlane v3, v0;
	_ =	sdelay $0x1  }
0x65: {  	v3 =	vperm.xlane v3, v2;
	v4 =	vadd.s32 v1, v4;
	_ =	sdelay $0x1  }
0x66: {  	v3 =	vadd.s32 v1, v3;
	_ =	sdelay $0x2  }
0x67: {  	[tilespmem:s23], [sflag:$0x1] =	stream.indirect_vreg.gather [hbm4b:s1+s3], $0x80, v4, vm0, $0xb8;
	[tilespmem:$0x9100] =	vst v63  }
0x68: {  	_ = 	snop  }
0x69: {  	[tilespmem:s24], [sflag:$0x1] =	stream.indirect_vreg.gather [hbm4b:s1+s3], $0x80, v3, vm0, $0xb8;
	[tilespmem:$0x9100] =	vst v63  }
0x6a: {  	v3 =	vld.msk [tilespmem:$0x88], $0xff;
	_ =	sdelay $0x4  }
0x6b: {  	v63 =	vshll.u32 v3, $0x1  }
0x6c: {  	v3 =	vand.u32 $0x7, v3;
	v4 =	vand.u32 $0xFFFFFFF0, v63  }
0x6d: {  	v3 =	vor.u32 v3, v4  }
0x6e: {  	v3 =	vperm.xlane v3, v0;
	_ =	sdelay $0x1  }
0x6f: {  	v3 =	vadd.s32 v1, v3;
	_ =	sdelay $0x4  }
0x70: {  	[tilespmem:s25], [sflag:$0x1] =	stream.indirect_vreg.gather [hbm4b:s1+s3], $0x80, v3, vm0, $0xb8;
	[tilespmem:$0x9100] =	vst v63  }
0x71: {  	_ =	swait.ge [sflag:s26], $0x4800  }
0x72: {  	[sflag:s26] =	ssyncset.done $0x0  }
0x73: {  	[sflag:s26] =	ssyncadd.s32 $0xFFFFB800  }
0x74: {  	_ =	swait.ge [sflag:s26], $0x4800  }
0x75: {  	p0 =	sne.s32 s6, $0x1;
	[sflag:s26] =	ssyncset.done $0x0  }
.Ltmp0:
0x76: {  	[sflag:s26] =	ssyncadd.s32 $0xFFFFB800;
	(pc) =	sbr.rel @p0 .LBB2_1-.Ltmp0, $4  }
0x77: {  	[hbm4b:s5+s3] =	stream.linear.scatter [tilespmem:s8], [sflag:$0x2], $0x9000, $0x38;
	[tilespmem:$0x9100] =	vst v63  }
0x78: {  	_ =	swait.ge [sflag:s7], $0x9000  }
0x79: {  	[sflag:s7] =	ssyncset.done $0x0  }
0x7a: {  	s6 =	sadd.s32 $0xFFFFFFFF, s6;
	[sflag:s7] =	ssyncadd.s32 $0xFFFF7000  }
0x7b: {  	_ =	sfence.sel $0x180000  }
0x7c: {  	[bflag:$0x0] =	sbarrier.arrive $0xFFFF  }
0x7d: {  	p0 =	sne.s32 s0, $0x0;
	_ =	strace $0x90000047  }
0x7e: {  	s0 =	sadd.s32 @!p0 $0x100000, s2;
	[bflag:$0x2] =	sbarrier.arrive $0xFFFF  }
0x7f: {  	[sflag:s0] =	ssyncadd.tile.s32 @!p0 $0x1;
	_ =	shalt  }
.Lfunc_end2:
_tile_overlayer_lowered:
.L_overlay_start_2:
0x80: {  	(tag) =	ssettag $0x2  }
0x81: {  	s0 =	rddreg [dreg:$0x0];
	s2 =	stileid.u32  }
0x82: {  	s1 =	rddreg [dreg:$0x1];
	p0 =	sne.s32 s2, $0x0  }
0x83: {  	s3 =	rddreg [dreg:$0x2];
	[bflag:$0x3] =	sbarrier.arrive $0xFFFF;
	s2 =	simm.s32 @!p0 $0x1C02  }
0x84: {  	[timem:s3], [sflag:s2] =	dma.local @!p0 [hbm:s0], s1  }
0x85: {  	s0 =	simm.s32 @!p0 $0x2  }
0x86: {  	_ =	swait.ge @!p0 [sflag:s0], s1  }
0x87: {  	s1 =	ssub.s32 @!p0 $0x0, s1;
	[sflag:s0] =	ssyncset.done @!p0 $0x0  }
0x88: {  	[sflag:s0] =	ssyncadd.s32 @!p0 s1  }
0x89: {  	[bflag:$0x3] =	sbarrier.arrive $0xFFFF  }
0x8a: {  	_ =	shalt  }

</sc_bundles>
